<compile_context>
chip_gen: v7x
topology: tpu7x:2x2x1
jax: 0.10.2.dev20260603
libtpu: 0.0.44.dev20260713+nightly
codegen_flags: <defaults>
</compile_context>

<pallas_src>
import functools

import jax
import jax.numpy as jnp
from jax import lax
from jax.experimental import pallas as pl
from jax.experimental.pallas import tpu as pltpu
from jax.experimental.pallas import tpu_sc as plsc

_D = 128
_H = 512
_B = 4096
_EPS = 1e-5

_NC = 1
_NS = 16
_NW = _NC * _NS
_BPW = _B // _NW
_NCH = 4
_CH = _BPW // _NCH


def _make_sc_gather():
  mesh = plsc.VectorSubcoreMesh(core_axis_name="c", subcore_axis_name="s",
                                num_cores=1)

  @functools.partial(
      pl.kernel,
      mesh=mesh,
      out_type=jax.ShapeDtypeStruct((_B, _D), jnp.float32),
      scratch_types=(
          [pltpu.VMEM((_CH,), jnp.int32) for _ in range(_NCH)]
          + [pltpu.VMEM((_CH, _D), jnp.float32) for _ in range(_NCH)]
          + [pltpu.SemaphoreType.DMA for _ in range(3 * _NCH)]
      ),
  )
  def gather_kernel(idx_hbm, table_hbm, out_hbm, *scr):
    idxs = scr[:_NCH]
    rows = scr[_NCH:2 * _NCH]
    isem = scr[2 * _NCH:3 * _NCH]
    gsem = scr[3 * _NCH:4 * _NCH]
    wsem = scr[4 * _NCH:]
    wid = lax.axis_index("s") * _NC + lax.axis_index("c")
    base = wid * _BPW
    ic = [pltpu.async_copy(idx_hbm.at[pl.ds(base + k * _CH, _CH)], idxs[k],
                           isem[k]) for k in range(_NCH)]
    gs = []
    for k in range(_NCH):
      ic[k].wait()
      gs.append(pltpu.async_copy(table_hbm.at[idxs[k]], rows[k], gsem[k]))
    ws = []
    for k in range(_NCH):
      gs[k].wait()
      ws.append(pltpu.async_copy(
          rows[k], out_hbm.at[pl.ds(base + k * _CH, _CH)], wsem[k]))
    for w in ws:
      w.wait()

  return gather_kernel


_sc_gather = _make_sc_gather()

_BLK = 2048


def _tc_body(x_ref, w_ref, b_ref, g_ref, bt_ref, o_ref):
  h = jnp.dot(x_ref[...], w_ref[...], preferred_element_type=jnp.float32)
  h = h + b_ref[...]
  mean = jnp.mean(h, axis=-1, keepdims=True)
  var = jnp.mean(jnp.square(h - mean), axis=-1, keepdims=True)
  o_ref[...] = (h - mean) * lax.rsqrt(var + _EPS) * g_ref[...] + bt_ref[...]


def _tc_proj_ln(x, W, b, gamma, beta):
  grid = _B // _BLK
  return pl.pallas_call(
      _tc_body,
      grid=(grid,),
      in_specs=[
          pl.BlockSpec((_BLK, _D), lambda i: (i, 0)),
          pl.BlockSpec((_D, _H), lambda i: (0, 0)),
          pl.BlockSpec((1, _H), lambda i: (0, 0)),
          pl.BlockSpec((1, _H), lambda i: (0, 0)),
          pl.BlockSpec((1, _H), lambda i: (0, 0)),
      ],
      out_specs=pl.BlockSpec((_BLK, _H), lambda i: (i, 0)),
      out_shape=jax.ShapeDtypeStruct((_B, _H), jnp.float32),
  )(x, W, b, gamma, beta)


@jax.jit
def kernel(user_ids, table, W, b, gamma, beta):
  idx = user_ids.astype(jnp.int32)
  embeds = _sc_gather(idx, table)
  return _tc_proj_ln(embeds, W, b.reshape(1, _H), gamma.reshape(1, _H),
                     beta.reshape(1, _H))

# --- scband reference (transcript-rebuilt; emitter-appended) ---
"""Pipeline reference for scband-user-embedding-29343216566530 (READ-ONLY COPY).

The authoritative reference and input builder live on the scoring server;
editing this copy changes nothing except your own understanding.
"""

import jax, jax.numpy as jnp
import numpy as np

NUM_USERS = 100000
EMBED_DIM = 128
HIDDEN = 512
BATCH = 4096
EPS = 1e-5

def setup_inputs(seed: int = 0) -> dict:
    key = jax.random.key(seed)
    k0, k1, k2, k3 = jax.random.split(key, 4)
    user_ids = jax.random.randint(k0, (BATCH,), 0, NUM_USERS, dtype=jnp.int64 if jax.config.jax_enable_x64 else jnp.int32)
    table = jax.random.normal(k1, (NUM_USERS, EMBED_DIM), dtype=jnp.float32)
    table = table.at[0].set(0.0)  # padding_idx=0
    W = jax.random.normal(k2, (EMBED_DIM, HIDDEN), dtype=jnp.float32) * (1.0 / np.sqrt(EMBED_DIM))
    b = jnp.zeros((HIDDEN,), dtype=jnp.float32)
    gamma = jnp.ones((HIDDEN,), dtype=jnp.float32)
    beta = jnp.zeros((HIDDEN,), dtype=jnp.float32)
    return {"user_ids": user_ids, "table": table, "W": W, "b": b, "gamma": gamma, "beta": beta}

def reference(user_ids, table, W, b, gamma, beta):
    # Embedding lookup (padding_idx=0 row is zero in table)
    user_embeds = jnp.take(table, user_ids, axis=0)            # [B, EMBED_DIM]
    # Linear projection
    h = jnp.dot(user_embeds, W) + b                            # [B, HIDDEN]
    # LayerNorm over last dim
    mean = jnp.mean(h, axis=-1, keepdims=True)
    var = jnp.mean(jnp.square(h - mean), axis=-1, keepdims=True)
    h = (h - mean) / jnp.sqrt(var + EPS)
    h = h * gamma + beta
    # Dropout is identity in eval mode
    return h

if __name__ == "__main__":
    import jax
    _d = setup_inputs()
    print(jax.jit(kernel)(*tuple(_d.values())))

</pallas_src>

<mosaic_0001>
#map = affine_map<(d0, d1) -> (0)>
#map1 = affine_map<(d0, d1) -> (0, 0)>
module attributes {stable_mosaic.version = 14 : i64} {
  func.func @gather_kernel(%arg0: i32, %arg1: i32, %arg2: memref<4096xi32, #tpu.memory_space<hbm>>, %arg3: memref<100000x128xf32, #tpu.memory_space<hbm>>, %arg4: memref<4096x128xf32, #tpu.memory_space<hbm>>, %arg5: memref<64xi32, #tpu.memory_space<vmem>>, %arg6: memref<64xi32, #tpu.memory_space<vmem>>, %arg7: memref<64xi32, #tpu.memory_space<vmem>>, %arg8: memref<64xi32, #tpu.memory_space<vmem>>, %arg9: memref<64x128xf32, #tpu.memory_space<vmem>>, %arg10: memref<64x128xf32, #tpu.memory_space<vmem>>, %arg11: memref<64x128xf32, #tpu.memory_space<vmem>>, %arg12: memref<64x128xf32, #tpu.memory_space<vmem>>, %arg13: memref<!tpu.dma_semaphore, #tpu.memory_space<semaphore_mem>>, %arg14: memref<!tpu.dma_semaphore, #tpu.memory_space<semaphore_mem>>, %arg15: memref<!tpu.dma_semaphore, #tpu.memory_space<semaphore_mem>>, %arg16: memref<!tpu.dma_semaphore, #tpu.memory_space<semaphore_mem>>, %arg17: memref<!tpu.dma_semaphore, #tpu.memory_space<semaphore_mem>>, %arg18: memref<!tpu.dma_semaphore, #tpu.memory_space<semaphore_mem>>, %arg19: memref<!tpu.dma_semaphore, #tpu.memory_space<semaphore_mem>>, %arg20: memref<!tpu.dma_semaphore, #tpu.memory_space<semaphore_mem>>, %arg21: memref<!tpu.dma_semaphore, #tpu.memory_space<semaphore_mem>>, %arg22: memref<!tpu.dma_semaphore, #tpu.memory_space<semaphore_mem>>, %arg23: memref<!tpu.dma_semaphore, #tpu.memory_space<semaphore_mem>>, %arg24: memref<!tpu.dma_semaphore, #tpu.memory_space<semaphore_mem>>) attributes {dimension_semantics = [#tpu.dimension_semantics<core_parallel>, #tpu.dimension_semantics<subcore_parallel>], iteration_bounds = array<i64: 1, 16>, scalar_prefetch = 0 : i64, scratch_operands = 20 : i64, tpu.core_type = #tpu.core_type<sc_vector_subcore>, window_params = [{transform_indices = #map}, {transform_indices = #map1}, {transform_indices = #map1}]} {
    %mul3A = arith.constant 1 : i32
    %mul3A_0 = arith.muli %arg1, %mul3A : i32
    %add3A = arith.addi %mul3A_0, %arg0 : i32
    %mul3A_1 = arith.constant 256 : i32
    %mul3A_2 = arith.muli %add3A, %mul3A_1 : i32
    %add3A_3 = arith.constant 0 : i32
    %add3A_4 = arith.addi %mul3A_2, %add3A_3 : i32
    %dma_start3A = tpu.memref_slice %arg2[%add3A_4] : memref<4096xi32, #tpu.memory_space<hbm>> -> memref<64xi32, #tpu.memory_space<hbm>>
    %dma_start3A_5 = tpu.memref_slice %arg2[%add3A_4] : memref<4096xi32, #tpu.memory_space<hbm>> -> memref<64xi32, #tpu.memory_space<hbm>>
    tpu.enqueue_dma source(%dma_start3A_5 : memref<64xi32, #tpu.memory_space<hbm>>) target(%arg5 : memref<64xi32, #tpu.memory_space<vmem>>) target_semaphore(%arg13 : memref<!tpu.dma_semaphore, #tpu.memory_space<semaphore_mem>>)
    %add3A_6 = arith.constant 64 : i32
    %add3A_7 = arith.addi %mul3A_2, %add3A_6 : i32
    %dma_start3A_8 = tpu.memref_slice %arg2[%add3A_7] : memref<4096xi32, #tpu.memory_space<hbm>> -> memref<64xi32, #tpu.memory_space<hbm>>
    %dma_start3A_9 = tpu.memref_slice %arg2[%add3A_7] : memref<4096xi32, #tpu.memory_space<hbm>> -> memref<64xi32, #tpu.memory_space<hbm>>
    tpu.enqueue_dma source(%dma_start3A_9 : memref<64xi32, #tpu.memory_space<hbm>>) target(%arg6 : memref<64xi32, #tpu.memory_space<vmem>>) target_semaphore(%arg14 : memref<!tpu.dma_semaphore, #tpu.memory_space<semaphore_mem>>)
    %add3A_10 = arith.constant 128 : i32
    %add3A_11 = arith.addi %mul3A_2, %add3A_10 : i32
    %dma_start3A_12 = tpu.memref_slice %arg2[%add3A_11] : memref<4096xi32, #tpu.memory_space<hbm>> -> memref<64xi32, #tpu.memory_space<hbm>>
    %dma_start3A_13 = tpu.memref_slice %arg2[%add3A_11] : memref<4096xi32, #tpu.memory_space<hbm>> -> memref<64xi32, #tpu.memory_space<hbm>>
    tpu.enqueue_dma source(%dma_start3A_13 : memref<64xi32, #tpu.memory_space<hbm>>) target(%arg7 : memref<64xi32, #tpu.memory_space<vmem>>) target_semaphore(%arg15 : memref<!tpu.dma_semaphore, #tpu.memory_space<semaphore_mem>>)
    %add3A_14 = arith.constant 192 : i32
    %add3A_15 = arith.addi %mul3A_2, %add3A_14 : i32
    %dma_start3A_16 = tpu.memref_slice %arg2[%add3A_15] : memref<4096xi32, #tpu.memory_space<hbm>> -> memref<64xi32, #tpu.memory_space<hbm>>
    %dma_start3A_17 = tpu.memref_slice %arg2[%add3A_15] : memref<4096xi32, #tpu.memory_space<hbm>> -> memref<64xi32, #tpu.memory_space<hbm>>
    tpu.enqueue_dma source(%dma_start3A_17 : memref<64xi32, #tpu.memory_space<hbm>>) target(%arg8 : memref<64xi32, #tpu.memory_space<vmem>>) target_semaphore(%arg16 : memref<!tpu.dma_semaphore, #tpu.memory_space<semaphore_mem>>)
    %dma_wait3A = tpu.memref_slice %arg2[%add3A_4] : memref<4096xi32, #tpu.memory_space<hbm>> -> memref<64xi32, #tpu.memory_space<hbm>>
    %dma_wait3A_18 = tpu.memref_slice %arg2[%add3A_4] : memref<4096xi32, #tpu.memory_space<hbm>> -> memref<64xi32, #tpu.memory_space<hbm>>
    tpu.wait_dma2 semaphore(%arg13 : memref<!tpu.dma_semaphore, #tpu.memory_space<semaphore_mem>>) src(%dma_wait3A_18 : memref<64xi32, #tpu.memory_space<hbm>>) dst(%arg5 : memref<64xi32, #tpu.memory_space<vmem>>)
    %dma_start3A_19 = arith.constant 0 : i32
    %dma_start3A_20 = arith.constant 0 : i32
    %dma_start3A_21 = tpu.memref_slice %arg3[%dma_start3A_19, %dma_start3A_20] : memref<100000x128xf32, #tpu.memory_space<hbm>> -> memref<100000x128xf32, #tpu.memory_space<hbm>>
    tpu.enqueue_indirect_dma source(%dma_start3A_21 : memref<100000x128xf32, #tpu.memory_space<hbm>>) target(%arg9 : memref<64x128xf32, #tpu.memory_space<vmem>>) offsets(%arg5 : memref<64xi32, #tpu.memory_space<vmem>>) semaphore(%arg17 : memref<!tpu.dma_semaphore, #tpu.memory_space<semaphore_mem>>)
    %dma_wait3A_22 = tpu.memref_slice %arg2[%add3A_7] : memref<4096xi32, #tpu.memory_space<hbm>> -> memref<64xi32, #tpu.memory_space<hbm>>
    %dma_wait3A_23 = tpu.memref_slice %arg2[%add3A_7] : memref<4096xi32, #tpu.memory_space<hbm>> -> memref<64xi32, #tpu.memory_space<hbm>>
    tpu.wait_dma2 semaphore(%arg14 : memref<!tpu.dma_semaphore, #tpu.memory_space<semaphore_mem>>) src(%dma_wait3A_23 : memref<64xi32, #tpu.memory_space<hbm>>) dst(%arg6 : memref<64xi32, #tpu.memory_space<vmem>>)
    %dma_start3A_24 = arith.constant 0 : i32
    %dma_start3A_25 = arith.constant 0 : i32
    %dma_start3A_26 = tpu.memref_slice %arg3[%dma_start3A_24, %dma_start3A_25] : memref<100000x128xf32, #tpu.memory_space<hbm>> -> memref<100000x128xf32, #tpu.memory_space<hbm>>
    tpu.enqueue_indirect_dma source(%dma_start3A_26 : memref<100000x128xf32, #tpu.memory_space<hbm>>) target(%arg10 : memref<64x128xf32, #tpu.memory_space<vmem>>) offsets(%arg6 : memref<64xi32, #tpu.memory_space<vmem>>) semaphore(%arg18 : memref<!tpu.dma_semaphore, #tpu.memory_space<semaphore_mem>>)
    %dma_wait3A_27 = tpu.memref_slice %arg2[%add3A_11] : memref<4096xi32, #tpu.memory_space<hbm>> -> memref<64xi32, #tpu.memory_space<hbm>>
    %dma_wait3A_28 = tpu.memref_slice %arg2[%add3A_11] : memref<4096xi32, #tpu.memory_space<hbm>> -> memref<64xi32, #tpu.memory_space<hbm>>
    tpu.wait_dma2 semaphore(%arg15 : memref<!tpu.dma_semaphore, #tpu.memory_space<semaphore_mem>>) src(%dma_wait3A_28 : memref<64xi32, #tpu.memory_space<hbm>>) dst(%arg7 : memref<64xi32, #tpu.memory_space<vmem>>)
    %dma_start3A_29 = arith.constant 0 : i32
    %dma_start3A_30 = arith.constant 0 : i32
    %dma_start3A_31 = tpu.memref_slice %arg3[%dma_start3A_29, %dma_start3A_30] : memref<100000x128xf32, #tpu.memory_space<hbm>> -> memref<100000x128xf32, #tpu.memory_space<hbm>>
    tpu.enqueue_indirect_dma source(%dma_start3A_31 : memref<100000x128xf32, #tpu.memory_space<hbm>>) target(%arg11 : memref<64x128xf32, #tpu.memory_space<vmem>>) offsets(%arg7 : memref<64xi32, #tpu.memory_space<vmem>>) semaphore(%arg19 : memref<!tpu.dma_semaphore, #tpu.memory_space<semaphore_mem>>)
    %dma_wait3A_32 = tpu.memref_slice %arg2[%add3A_15] : memref<4096xi32, #tpu.memory_space<hbm>> -> memref<64xi32, #tpu.memory_space<hbm>>
    %dma_wait3A_33 = tpu.memref_slice %arg2[%add3A_15] : memref<4096xi32, #tpu.memory_space<hbm>> -> memref<64xi32, #tpu.memory_space<hbm>>
    tpu.wait_dma2 semaphore(%arg16 : memref<!tpu.dma_semaphore, #tpu.memory_space<semaphore_mem>>) src(%dma_wait3A_33 : memref<64xi32, #tpu.memory_space<hbm>>) dst(%arg8 : memref<64xi32, #tpu.memory_space<vmem>>)
    %dma_start3A_34 = arith.constant 0 : i32
    %dma_start3A_35 = arith.constant 0 : i32
    %dma_start3A_36 = tpu.memref_slice %arg3[%dma_start3A_34, %dma_start3A_35] : memref<100000x128xf32, #tpu.memory_space<hbm>> -> memref<100000x128xf32, #tpu.memory_space<hbm>>
    tpu.enqueue_indirect_dma source(%dma_start3A_36 : memref<100000x128xf32, #tpu.memory_space<hbm>>) target(%arg12 : memref<64x128xf32, #tpu.memory_space<vmem>>) offsets(%arg8 : memref<64xi32, #tpu.memory_space<vmem>>) semaphore(%arg20 : memref<!tpu.dma_semaphore, #tpu.memory_space<semaphore_mem>>)
    %dma_wait3A_37 = arith.constant 0 : i32
    %dma_wait3A_38 = arith.constant 0 : i32
    %dma_wait3A_39 = tpu.memref_slice %arg3[%dma_wait3A_37, %dma_wait3A_38] : memref<100000x128xf32, #tpu.memory_space<hbm>> -> memref<100000x128xf32, #tpu.memory_space<hbm>>
    tpu.wait_indirect_dma semaphore(%arg17 : memref<!tpu.dma_semaphore, #tpu.memory_space<semaphore_mem>>) src(%dma_wait3A_39 : memref<100000x128xf32, #tpu.memory_space<hbm>>) dst(%arg9 : memref<64x128xf32, #tpu.memory_space<vmem>>)
    %add3A_40 = arith.constant 0 : i32
    %add3A_41 = arith.addi %mul3A_2, %add3A_40 : i32
    %dma_start3A_42 = arith.constant 0 : i32
    %dma_start3A_43 = tpu.memref_slice %arg4[%add3A_41, %dma_start3A_42] : memref<4096x128xf32, #tpu.memory_space<hbm>> -> memref<64x128xf32, #tpu.memory_space<hbm>>
    %dma_start3A_44 = arith.constant 0 : i32
    %dma_start3A_45 = tpu.memref_slice %arg4[%add3A_41, %dma_start3A_44] : memref<4096x128xf32, #tpu.memory_space<hbm>> -> memref<64x128xf32, #tpu.memory_space<hbm>>
    tpu.enqueue_dma source(%arg9 : memref<64x128xf32, #tpu.memory_space<vmem>>) target(%dma_start3A_45 : memref<64x128xf32, #tpu.memory_space<hbm>>) target_semaphore(%arg21 : memref<!tpu.dma_semaphore, #tpu.memory_space<semaphore_mem>>)
    %dma_wait3A_46 = arith.constant 0 : i32
    %dma_wait3A_47 = arith.constant 0 : i32
    %dma_wait3A_48 = tpu.memref_slice %arg3[%dma_wait3A_46, %dma_wait3A_47] : memref<100000x128xf32, #tpu.memory_space<hbm>> -> memref<100000x128xf32, #tpu.memory_space<hbm>>
    tpu.wait_indirect_dma semaphore(%arg18 : memref<!tpu.dma_semaphore, #tpu.memory_space<semaphore_mem>>) src(%dma_wait3A_48 : memref<100000x128xf32, #tpu.memory_space<hbm>>) dst(%arg10 : memref<64x128xf32, #tpu.memory_space<vmem>>)
    %add3A_49 = arith.constant 64 : i32
    %add3A_50 = arith.addi %mul3A_2, %add3A_49 : i32
    %dma_start3A_51 = arith.constant 0 : i32
    %dma_start3A_52 = tpu.memref_slice %arg4[%add3A_50, %dma_start3A_51] : memref<4096x128xf32, #tpu.memory_space<hbm>> -> memref<64x128xf32, #tpu.memory_space<hbm>>
    %dma_start3A_53 = arith.constant 0 : i32
    %dma_start3A_54 = tpu.memref_slice %arg4[%add3A_50, %dma_start3A_53] : memref<4096x128xf32, #tpu.memory_space<hbm>> -> memref<64x128xf32, #tpu.memory_space<hbm>>
    tpu.enqueue_dma source(%arg10 : memref<64x128xf32, #tpu.memory_space<vmem>>) target(%dma_start3A_54 : memref<64x128xf32, #tpu.memory_space<hbm>>) target_semaphore(%arg22 : memref<!tpu.dma_semaphore, #tpu.memory_space<semaphore_mem>>)
    %dma_wait3A_55 = arith.constant 0 : i32
    %dma_wait3A_56 = arith.constant 0 : i32
    %dma_wait3A_57 = tpu.memref_slice %arg3[%dma_wait3A_55, %dma_wait3A_56] : memref<100000x128xf32, #tpu.memory_space<hbm>> -> memref<100000x128xf32, #tpu.memory_space<hbm>>
    tpu.wait_indirect_dma semaphore(%arg19 : memref<!tpu.dma_semaphore, #tpu.memory_space<semaphore_mem>>) src(%dma_wait3A_57 : memref<100000x128xf32, #tpu.memory_space<hbm>>) dst(%arg11 : memref<64x128xf32, #tpu.memory_space<vmem>>)
    %add3A_58 = arith.constant 128 : i32
    %add3A_59 = arith.addi %mul3A_2, %add3A_58 : i32
    %dma_start3A_60 = arith.constant 0 : i32
    %dma_start3A_61 = tpu.memref_slice %arg4[%add3A_59, %dma_start3A_60] : memref<4096x128xf32, #tpu.memory_space<hbm>> -> memref<64x128xf32, #tpu.memory_space<hbm>>
    %dma_start3A_62 = arith.constant 0 : i32
    %dma_start3A_63 = tpu.memref_slice %arg4[%add3A_59, %dma_start3A_62] : memref<4096x128xf32, #tpu.memory_space<hbm>> -> memref<64x128xf32, #tpu.memory_space<hbm>>
    tpu.enqueue_dma source(%arg11 : memref<64x128xf32, #tpu.memory_space<vmem>>) target(%dma_start3A_63 : memref<64x128xf32, #tpu.memory_space<hbm>>) target_semaphore(%arg23 : memref<!tpu.dma_semaphore, #tpu.memory_space<semaphore_mem>>)
    %dma_wait3A_64 = arith.constant 0 : i32
    %dma_wait3A_65 = arith.constant 0 : i32
    %dma_wait3A_66 = tpu.memref_slice %arg3[%dma_wait3A_64, %dma_wait3A_65] : memref<100000x128xf32, #tpu.memory_space<hbm>> -> memref<100000x128xf32, #tpu.memory_space<hbm>>
    tpu.wait_indirect_dma semaphore(%arg20 : memref<!tpu.dma_semaphore, #tpu.memory_space<semaphore_mem>>) src(%dma_wait3A_66 : memref<100000x128xf32, #tpu.memory_space<hbm>>) dst(%arg12 : memref<64x128xf32, #tpu.memory_space<vmem>>)
    %add3A_67 = arith.constant 192 : i32
    %add3A_68 = arith.addi %mul3A_2, %add3A_67 : i32
    %dma_start3A_69 = arith.constant 0 : i32
    %dma_start3A_70 = tpu.memref_slice %arg4[%add3A_68, %dma_start3A_69] : memref<4096x128xf32, #tpu.memory_space<hbm>> -> memref<64x128xf32, #tpu.memory_space<hbm>>
    %dma_start3A_71 = arith.constant 0 : i32
    %dma_start3A_72 = tpu.memref_slice %arg4[%add3A_68, %dma_start3A_71] : memref<4096x128xf32, #tpu.memory_space<hbm>> -> memref<64x128xf32, #tpu.memory_space<hbm>>
    tpu.enqueue_dma source(%arg12 : memref<64x128xf32, #tpu.memory_space<vmem>>) target(%dma_start3A_72 : memref<64x128xf32, #tpu.memory_space<hbm>>) target_semaphore(%arg24 : memref<!tpu.dma_semaphore, #tpu.memory_space<semaphore_mem>>)
    %dma_wait3A_73 = arith.constant 0 : i32
    %dma_wait3A_74 = tpu.memref_slice %arg4[%add3A_41, %dma_wait3A_73] : memref<4096x128xf32, #tpu.memory_space<hbm>> -> memref<64x128xf32, #tpu.memory_space<hbm>>
    %dma_wait3A_75 = arith.constant 0 : i32
    %dma_wait3A_76 = tpu.memref_slice %arg4[%add3A_41, %dma_wait3A_75] : memref<4096x128xf32, #tpu.memory_space<hbm>> -> memref<64x128xf32, #tpu.memory_space<hbm>>
    tpu.wait_dma2 semaphore(%arg21 : memref<!tpu.dma_semaphore, #tpu.memory_space<semaphore_mem>>) src(%arg9 : memref<64x128xf32, #tpu.memory_space<vmem>>) dst(%dma_wait3A_76 : memref<64x128xf32, #tpu.memory_space<hbm>>)
    %dma_wait3A_77 = arith.constant 0 : i32
    %dma_wait3A_78 = tpu.memref_slice %arg4[%add3A_50, %dma_wait3A_77] : memref<4096x128xf32, #tpu.memory_space<hbm>> -> memref<64x128xf32, #tpu.memory_space<hbm>>
    %dma_wait3A_79 = arith.constant 0 : i32
    %dma_wait3A_80 = tpu.memref_slice %arg4[%add3A_50, %dma_wait3A_79] : memref<4096x128xf32, #tpu.memory_space<hbm>> -> memref<64x128xf32, #tpu.memory_space<hbm>>
    tpu.wait_dma2 semaphore(%arg22 : memref<!tpu.dma_semaphore, #tpu.memory_space<semaphore_mem>>) src(%arg10 : memref<64x128xf32, #tpu.memory_space<vmem>>) dst(%dma_wait3A_80 : memref<64x128xf32, #tpu.memory_space<hbm>>)
    %dma_wait3A_81 = arith.constant 0 : i32
    %dma_wait3A_82 = tpu.memref_slice %arg4[%add3A_59, %dma_wait3A_81] : memref<4096x128xf32, #tpu.memory_space<hbm>> -> memref<64x128xf32, #tpu.memory_space<hbm>>
    %dma_wait3A_83 = arith.constant 0 : i32
    %dma_wait3A_84 = tpu.memref_slice %arg4[%add3A_59, %dma_wait3A_83] : memref<4096x128xf32, #tpu.memory_space<hbm>> -> memref<64x128xf32, #tpu.memory_space<hbm>>
    tpu.wait_dma2 semaphore(%arg23 : memref<!tpu.dma_semaphore, #tpu.memory_space<semaphore_mem>>) src(%arg11 : memref<64x128xf32, #tpu.memory_space<vmem>>) dst(%dma_wait3A_84 : memref<64x128xf32, #tpu.memory_space<hbm>>)
    %dma_wait3A_85 = arith.constant 0 : i32
    %dma_wait3A_86 = tpu.memref_slice %arg4[%add3A_68, %dma_wait3A_85] : memref<4096x128xf32, #tpu.memory_space<hbm>> -> memref<64x128xf32, #tpu.memory_space<hbm>>
    %dma_wait3A_87 = arith.constant 0 : i32
    %dma_wait3A_88 = tpu.memref_slice %arg4[%add3A_68, %dma_wait3A_87] : memref<4096x128xf32, #tpu.memory_space<hbm>> -> memref<64x128xf32, #tpu.memory_space<hbm>>
    tpu.wait_dma2 semaphore(%arg24 : memref<!tpu.dma_semaphore, #tpu.memory_space<semaphore_mem>>) src(%arg12 : memref<64x128xf32, #tpu.memory_space<vmem>>) dst(%dma_wait3A_88 : memref<64x128xf32, #tpu.memory_space<hbm>>)
    return
  }
}

module attributes {stable_mosaic.version = 14 : i64} {
  func.func @_tc_body(%arg0: i32, %arg1: memref<2048x128xf32, #tpu.memory_space<vmem>>, %arg2: memref<128x512xf32, #tpu.memory_space<vmem>>, %arg3: memref<1x512xf32, #tpu.memory_space<vmem>>, %arg4: memref<1x512xf32, #tpu.memory_space<vmem>>, %arg5: memref<1x512xf32, #tpu.memory_space<vmem>>, %arg6: memref<2048x512xf32, #tpu.memory_space<vmem>>) attributes {dimension_semantics = [#tpu.dimension_semantics<arbitrary>], iteration_bounds = array<i64: 2>, scalar_prefetch = 0 : i64, scratch_operands = 0 : i64, tpu.core_type = #tpu.core_type<tc>, window_params = [{transform_indices = @transform_0, window_bounds = array<i64: 2048, 128>}, {pipeline_mode = #tpu.pipeline_mode<synchronous>, transform_indices = @transform_1, window_bounds = array<i64: 128, 512>}, {pipeline_mode = #tpu.pipeline_mode<synchronous>, transform_indices = @transform_2, window_bounds = array<i64: 1, 512>}, {pipeline_mode = #tpu.pipeline_mode<synchronous>, transform_indices = @transform_3, window_bounds = array<i64: 1, 512>}, {pipeline_mode = #tpu.pipeline_mode<synchronous>, transform_indices = @transform_4, window_bounds = array<i64: 1, 512>}, {transform_indices = @transform_5, window_bounds = array<i64: 2048, 512>}]} {
    %get3A = arith.constant 0 : index
    %get3A_0 = arith.constant 0 : index
    %get3A_1 = vector.load %arg1[%get3A, %get3A_0] : memref<2048x128xf32, #tpu.memory_space<vmem>>, vector<2048x128xf32>
    %get3A_2 = arith.constant 0 : index
    %get3A_3 = arith.constant 0 : index
    %get3A_4 = vector.load %arg2[%get3A_2, %get3A_3] : memref<128x512xf32, #tpu.memory_space<vmem>>, vector<128x512xf32>
    %dot_general3A = arith.constant dense<0.000000e+00> : vector<2048x512xf32>
    %dot_general3A_5 = tpu.matmul %get3A_1, %get3A_4, %dot_general3A {dimension_numbers = #tpu.dot_dimension_numbers<[1], [0], [0], [1], [0, 0, 1, 1], [], []>, transpose_lhs_hint = false} : vector<2048x128xf32>, vector<128x512xf32>, vector<2048x512xf32> -> vector<2048x512xf32>
    %get3A_6 = arith.constant 0 : index
    %get3A_7 = arith.constant 0 : index
    %get3A_8 = vector.load %arg3[%get3A_6, %get3A_7] : memref<1x512xf32, #tpu.memory_space<vmem>>, vector<1x512xf32>
    %add3A = vector.broadcast %get3A_8 : vector<1x512xf32> to vector<2048x512xf32>
    %add3A_9 = arith.addf %dot_general3A_5, %add3A : vector<2048x512xf32>
    %reduce_sum3A = arith.constant dense<0.000000e+00> : vector<2048xf32>
    %reduce_sum3A_10 = vector.multi_reduction <add>, %add3A_9, %reduce_sum3A [1] : vector<2048x512xf32> to vector<2048xf32>
    %broadcast_in_dim3A = vector.shape_cast %reduce_sum3A_10 : vector<2048xf32> to vector<2048x1xf32>
    %div3A = arith.constant 5.120000e+02 : f32
    %div3A_11 = vector.broadcast %div3A : f32 to vector<2048x1xf32>
    %div3A_12 = arith.divf %broadcast_in_dim3A, %div3A_11 : vector<2048x1xf32>
    %sub3A = vector.broadcast %div3A_12 : vector<2048x1xf32> to vector<2048x512xf32>
    %sub3A_13 = arith.subf %add3A_9, %sub3A : vector<2048x512xf32>
    %square3A = arith.mulf %sub3A_13, %sub3A_13 : vector<2048x512xf32>
    %reduce_sum3A_14 = arith.constant dense<0.000000e+00> : vector<2048xf32>
    %reduce_sum3A_15 = vector.multi_reduction <add>, %square3A, %reduce_sum3A_14 [1] : vector<2048x512xf32> to vector<2048xf32>
    %broadcast_in_dim3A_16 = vector.shape_cast %reduce_sum3A_15 : vector<2048xf32> to vector<2048x1xf32>
    %div3A_17 = arith.constant 5.120000e+02 : f32
    %div3A_18 = vector.broadcast %div3A_17 : f32 to vector<2048x1xf32>
    %div3A_19 = arith.divf %broadcast_in_dim3A_16, %div3A_18 : vector<2048x1xf32>
    %sub3A_20 = vector.broadcast %div3A_12 : vector<2048x1xf32> to vector<2048x512xf32>
    %sub3A_21 = arith.subf %add3A_9, %sub3A_20 : vector<2048x512xf32>
    %add3A_22 = arith.constant 9.99999974E-6 : f32
    %add3A_23 = vector.broadcast %add3A_22 : f32 to vector<2048x1xf32>
    %add3A_24 = arith.addf %div3A_19, %add3A_23 : vector<2048x1xf32>
    %rsqrt3A = math.rsqrt %add3A_24 : vector<2048x1xf32>
    %mul3A = vector.broadcast %rsqrt3A : vector<2048x1xf32> to vector<2048x512xf32>
    %mul3A_25 = arith.mulf %sub3A_21, %mul3A : vector<2048x512xf32>
    %get3A_26 = arith.constant 0 : index
    %get3A_27 = arith.constant 0 : index
    %get3A_28 = vector.load %arg4[%get3A_26, %get3A_27] : memref<1x512xf32, #tpu.memory_space<vmem>>, vector<1x512xf32>
    %mul3A_29 = vector.broadcast %get3A_28 : vector<1x512xf32> to vector<2048x512xf32>
    %mul3A_30 = arith.mulf %mul3A_25, %mul3A_29 : vector<2048x512xf32>
    %get3A_31 = arith.constant 0 : index
    %get3A_32 = arith.constant 0 : index
    %get3A_33 = vector.load %arg5[%get3A_31, %get3A_32] : memref<1x512xf32, #tpu.memory_space<vmem>>, vector<1x512xf32>
    %add3A_34 = vector.broadcast %get3A_33 : vector<1x512xf32> to vector<2048x512xf32>
    %add3A_35 = arith.addf %mul3A_30, %add3A_34 : vector<2048x512xf32>
    %swap3A = arith.constant 0 : index
    %swap3A_36 = arith.constant 0 : index
    %swap3A_37 = vector.load %arg6[%swap3A, %swap3A_36] : memref<2048x512xf32, #tpu.memory_space<vmem>>, vector<2048x512xf32>
    tpu.vector_store %arg6[%swap3A, %swap3A_36], %add3A_35 {strides = array<i32>} : memref<2048x512xf32, #tpu.memory_space<vmem>>, vector<2048x512xf32>,
    return
  }
  func.func @transform_0(%arg0: i32) -> (i32, i32) {
    %c0_i32 = arith.constant 0 : i32
    %c0_i32_0 = arith.constant 0 : i32
    return %arg0, %c0_i32 : i32, i32
  }
  func.func @transform_1(%arg0: i32) -> (i32, i32) {
    %c0_i32 = arith.constant 0 : i32
    %c0_i32_0 = arith.constant 0 : i32
    %c0_i32_1 = arith.constant 0 : i32
    return %c0_i32, %c0_i32_0 : i32, i32
  }
  func.func @transform_2(%arg0: i32) -> (i32, i32) {
    %c0_i32 = arith.constant 0 : i32
    %c0_i32_0 = arith.constant 0 : i32
    %c0_i32_1 = arith.constant 0 : i32
    return %c0_i32, %c0_i32_0 : i32, i32
  }
  func.func @transform_3(%arg0: i32) -> (i32, i32) {
    %c0_i32 = arith.constant 0 : i32
    %c0_i32_0 = arith.constant 0 : i32
    %c0_i32_1 = arith.constant 0 : i32
    return %c0_i32, %c0_i32_0 : i32, i32
  }
  func.func @transform_4(%arg0: i32) -> (i32, i32) {
    %c0_i32 = arith.constant 0 : i32
    %c0_i32_0 = arith.constant 0 : i32
    %c0_i32_1 = arith.constant 0 : i32
    return %c0_i32, %c0_i32_0 : i32, i32
  }
  func.func @transform_5(%arg0: i32) -> (i32, i32) {
    %c0_i32 = arith.constant 0 : i32
    %c0_i32_0 = arith.constant 0 : i32
    return %arg0, %c0_i32 : i32, i32
  }
}

</mosaic_0001>

<sc_bundles>
// kernel: kernel.4.cloned.1.call-start
scs
__scs_entry_jumppad:
0x0: {  	(pc) =	sbr.rel $0x88, $3  }
0x1: {  	(tag) =	ssettag $0x0;
	lr =	simm.s32 $0x1  }
0x2: {  	[smem:$0x3F9B] =	sst lr;
	_ =	strace $0xD0000000  }
0x3: {  	_ = 	snop  }
0x4: {  	_ = 	snop  }
0x5: {  	_ = 	snop  }
0x6: {  	_ = 	snop  }
0x7: {  	_ = 	snop  }
__scs_overlays_trampoline_lowered:
0x8: {  	[smem:$0x3FAA] =	sst s0  }
0x9: {  	[smem:$0x3FAB] =	sst s1  }
0xa: {  	[smem:$0x3FAC] =	sst s2  }
0xb: {  	[smem:$0x3FAD] =	sst s3  }
0xc: {  	[smem:$0x3FAE] =	sst s4  }
0xd: {  	[smem:$0x3FAF] =	sst s5  }
0xe: {  	[smem:$0x3FB0] =	sst s6  }
0xf: {  	[smem:$0x3FB1] =	sst s7  }
0x10: {  	[smem:$0x3FB2] =	sst s8  }
0x11: {  	[smem:$0x3FB3] =	sst s9;
	s0 =	simm.s32 @!p0 $0x0  }
0x12: {  	s1 =	sld [smem:$0x3F99];
	s0 =	simm.s32 @p0 $0x1  }
0x13: {  	[smem:$0x3FB4] =	sst s0;
	s0 =	simm.s32 @!p1 $0x0  }
0x14: {  	s2 =	sld [smem:$0x3F98];
	s0 =	simm.s32 @p1 $0x1  }
0x15: {  	[smem:$0x3FB5] =	sst s0;
	s0 =	simm.s32 @!p2 $0x0  }
0x16: {  	s3 =	sld [smem:$0x3FDB];
	s0 =	simm.s32 @p2 $0x1  }
0x17: {  	s4 =	simm.s32 $0x1BF5;
	[smem:$0x3FB7] =	sst s0  }
0x18: {  	s0 =	sld [smem:$0x3F9A];
	_ =	swait.ge [sflag:s4], $0x0  }
0x19: {  	s7 =	sld [smem:$0x3F9B]  }
0x1a: {  	s8 =	sadd.s32 $0xFFFFE003, lr  }
0x1b: {  	s9 =	sadd.s32 $0xFFFFFEF7, lr;
	s5 =	simm.s32 $0xFFFFFFFF;
	p2 =	slt.u32 s8, $0xFFFFF086  }
0x1c: {  	p1 =	slt.u32 s9, $0xF7A;
	s5 =	simm.s32 @!p2 $0x0  }
0x1d: {  	s5 =	simm.s32 @p1 $0x1;
	p0 =	seq.s32 s7, s2  }
0x1e: {  	s7 =	smul.u32 @!p0 $0xF7A, s2;
	p2 =	seq.s32 @!p0 s5, $0x0  }
0x1f: {  	s9 =	smul.u32 $0xF7A, s1;
	s8 =	simm.s32 @!p0 $0x1BF5;
	p2 =	por !p2, p0  }
0x20: {  	[sflag:s8] =	ssyncset.s32 @!p0 $0xFFFFF086;
	s6 =	sadd.s32 @!p0 s3, s7;
	s7 =	simm.s32 @!p0 $0x108  }
0x21: {  	s3 =	sadd.s32 s3, s9;
	s6 =	sadd.s32 @!p0 $0x88, s6;
	s7 =	simm.s32 @p2 $0x1082  }
0x22: {  	[simem:s7], [sflag:s8] =	dma.local @!p0 [hbm:s6], $0xF7A  }
0x23: {  	s9 =	sor.u32 $0xD0000000, s2;
	s6 =	simm.s32 $0x108;
	_ =	swait.ge @!p0 [sflag:s8], $0x0  }
0x24: {  	s3 =	sadd.s32 $0x88, s3;
	s6 =	simm.s32 @!p1 $0x1082;
	[sflag:s4] =	ssyncset.s32 $0xFFFFF086  }
0x25: {  	[simem:s6], [sflag:s4] =	dma.local [hbm:s3], $0xF7A  }
0x26: {  	[smem:$0x3F9B] =	sst s1;
	(tag) =	ssettag s2;
	_ =	strace s9  }
0x27: {  	s1 =	sld [smem:$0x3FAB]  }
0x28: {  	s2 =	sld [smem:$0x3FAC]  }
0x29: {  	s4 =	sld [smem:$0x3FAE]  }
0x2a: {  	p0 =	seq.s32 s5, $0x0;
	s5 =	sld [smem:$0x3FAF]  }
0x2b: {  	s6 =	sld [smem:$0x3FB0]  }
0x2c: {  	s7 =	sld [smem:$0x3FB1]  }
0x2d: {  	s3 =	simm.s32 $0x108;
	s8 =	sld [smem:$0x3FB2]  }
0x2e: {  	s3 =	simm.s32 @!p0 $0x1082;
	s9 =	sld [smem:$0x3FB3]  }
0x2f: {  	lr =	sadd.s32 s0, s3;
	s0 =	sld [smem:$0x3FAA]  }
0x30: {  	s3 =	sld [smem:$0x3FAD]  }
0x31: {  	[smem:$0x3FB6] =	sst s10  }
0x32: {  	s10 =	sld [smem:$0x3FB4];
	_ =	sdelay $0x3  }
0x33: {  	p0 =	seq.s32 s10, $0x1;
	s10 =	sld [smem:$0x3FB6];
	_ =	sdelay $0x3  }
0x34: {  	[smem:$0x3FB6] =	sst s10  }
0x35: {  	s10 =	sld [smem:$0x3FB5];
	_ =	sdelay $0x3  }
0x36: {  	p1 =	seq.s32 s10, $0x1;
	s10 =	sld [smem:$0x3FB6];
	_ =	sdelay $0x3  }
0x37: {  	[smem:$0x3FB6] =	sst s10  }
0x38: {  	s10 =	sld [smem:$0x3FB7]  }
0x39: {  	_ = 	snop;
	(pc) =	sbr.ind lr, $3  }
0x3a: {  	_ = 	snop  }
0x3b: {  	_ = 	snop  }
0x3c: {  	p2 =	seq.s32 s10, $0x1;
	s10 =	sld [smem:$0x3FB6]  }
0x3d: {  	_ =	shalt  }
0x3e: {  	_ =	shalt  }
0x3f: {  	_ =	shalt  }
0x40: {  	_ =	shalt  }
0x41: {  	_ =	shalt  }
0x42: {  	_ =	shalt  }
0x43: {  	_ =	shalt  }
0x44: {  	_ =	shalt  }
0x45: {  	_ =	shalt  }
0x46: {  	_ =	shalt  }
0x47: {  	_ =	shalt  }
0x48: {  	_ =	shalt  }
0x49: {  	_ =	shalt  }
0x4a: {  	_ =	shalt  }
0x4b: {  	_ =	shalt  }
0x4c: {  	_ =	shalt  }
0x4d: {  	_ =	shalt  }
0x4e: {  	_ =	shalt  }
0x4f: {  	_ =	shalt  }
0x50: {  	_ =	shalt  }
0x51: {  	_ =	shalt  }
0x52: {  	_ =	shalt  }
0x53: {  	_ =	shalt  }
0x54: {  	_ =	shalt  }
0x55: {  	_ =	shalt  }
0x56: {  	_ =	shalt  }
0x57: {  	_ =	shalt  }
0x58: {  	_ =	shalt  }
0x59: {  	_ =	shalt  }
0x5a: {  	_ =	shalt  }
0x5b: {  	_ =	shalt  }
0x5c: {  	_ =	shalt  }
0x5d: {  	_ =	shalt  }
0x5e: {  	_ =	shalt  }
0x5f: {  	_ =	shalt  }
0x60: {  	_ =	shalt  }
0x61: {  	_ =	shalt  }
0x62: {  	_ =	shalt  }
0x63: {  	_ =	shalt  }
0x64: {  	_ =	shalt  }
0x65: {  	_ =	shalt  }
0x66: {  	_ =	shalt  }
0x67: {  	_ =	shalt  }
0x68: {  	_ =	shalt  }
0x69: {  	_ =	shalt  }
0x6a: {  	_ =	shalt  }
0x6b: {  	_ =	shalt  }
0x6c: {  	_ =	shalt  }
0x6d: {  	_ =	shalt  }
0x6e: {  	_ =	shalt  }
0x6f: {  	_ =	shalt  }
0x70: {  	_ =	shalt  }
0x71: {  	_ =	shalt  }
0x72: {  	_ =	shalt  }
0x73: {  	_ =	shalt  }
0x74: {  	_ =	shalt  }
0x75: {  	_ =	shalt  }
0x76: {  	_ =	shalt  }
0x77: {  	_ =	shalt  }
0x78: {  	_ =	shalt  }
0x79: {  	_ =	shalt  }
0x7a: {  	_ =	shalt  }
0x7b: {  	_ =	shalt  }
0x7c: {  	_ =	shalt  }
0x7d: {  	_ =	shalt  }
0x7e: {  	_ =	shalt  }
0x7f: {  	_ =	shalt  }
0x80: {  	_ =	shalt  }
0x81: {  	_ =	shalt  }
0x82: {  	_ =	shalt  }
0x83: {  	_ =	shalt  }
0x84: {  	_ =	shalt  }
0x85: {  	_ =	shalt  }
0x86: {  	_ =	shalt  }
0x87: {  	_ =	shalt  }
.Lfunc_end0:
.L_simem_size_0:
called_computation_lowered:
.L_overlay_start_0:
0x88: {  	s0 =	sld [smem:$0x3FD9]  }
0x89: {  	s1 =	sld [smem:$0x3FFE];
	_ =	sdelay $0x3  }
0x8a: {  	s0 =	sadd.s32 s1, s0  }
0x8b: {  	[smem:$0x3FC2] =	sst s0  }
0x8c: {  	_ = 	snop  }
0x8d: {  	s0 =	sld [smem:$0x3FC9]  }
0x8e: {  	s17 =	sld [smem:$0x3FC8]  }
0x8f: {  	s2 =	sld [smem:$0x3FD0];
	(tm) =	ssettm $0x1  }
0x90: {  	s3 =	sld [smem:$0x3FFB];
	_ =	sdelay $0x3  }
0x91: {  	_ =	strace s3  }
0x92: {  	s3 =	sld [smem:$0x3FFC];
	_ =	sdelay $0x3  }
0x93: {  	_ =	strace s3  }
0x94: {  	s3 =	sld [smem:$0x3FFD];
	_ =	sdelay $0x3  }
0x95: {  	_ =	strace s3  }
0x96: {  	_ =	strace $0x8FFFFFFF  }
0x97: {  	s18 =	sld [smem:$0x3FDB];
	_ =	sdelay $0x1  }
0x98: {  	s4 =	simm.s32 $_scs_section_size  }
0x99: {  	s5 =	simm.s32 $_size__tile_overlayer_lowered;
	s6 =	simm.s32 $_tile_overlayer_lowered  }
0x9a: {  	s21 =	simm.s32 $0x1BFF;
	s20 =	sshll.u32 s6, $0x1;
	s3 =	sadd.s32 s4, s18  }
0x9b: {  	s7 =	simm.s32 $0x0;
	s19 =	sshll.u32 s5, $0x1;
	s5 =	sadd.s32 s20, s3  }
0x9c: {  	[timem:s7], [sflag:s21] =	dma.local [hbm:s5], s19  }
0x9d: {  	_ =	swait.ge [sflag:s21], s19  }
0x9e: {  	s4 =	ssub.s32 $0x0, s19;
	[sflag:s21] =	ssyncset.done $0x0  }
0x9f: {  	[sflag:s21] =	ssyncadd.s32 s4;
	_ =	sdelay $0x1  }
0xa0: {  	s22 =	simm.s32 $0x1B8B  }
0xa1: {  	_ =	swait.ge [sflag:s22], $0x1  }
0xa2: {  	[sflag:s22] =	ssyncset.done $0x0  }
0xa3: {  	s23 =	simm.s32 $0x1B8E;
	[sflag:s22] =	ssyncadd.s32 $0xFFFFFFFF  }
0xa4: {  	s24 =	simm.s32 $execute0_lowered;
	[smem:$0x3FD2] =	sst s23  }
0xa5: {  	s4 =	sshll.u32 s24, $0x1;
	_ =	strace $0x80000046;
	[dreg:$0x1] =	wrdreg $0xFFFFFFFF  }
0xa6: {  	s25 =	simm.s32 $_size_execute0_lowered;
	s3 =	sadd.s32 s3, s4;
	[dreg:$0x0] =	wrdreg $0x0  }
0xa7: {  	s4 =	sshll.u32 s25, $0x1;
	[dreg:$0x2] =	wrdreg s3  }
0xa8: {  	[dreg:$0x3] =	wrdreg s4  }
0xa9: {  	[dreg:$0x4] =	wrdreg $0xC0  }
0xaa: {  	_ =	task [dreg:s7], $0x5FFFF  }
0xab: {  	[dreg:$0x1] =	wrdreg $0xFFFFFFFF  }
0xac: {  	[dreg:$0x0] =	wrdreg $0x60  }
0xad: {  	[dreg:$0x2] =	wrdreg s0  }
0xae: {  	[dreg:$0x3] =	wrdreg s17  }
0xaf: {  	[dreg:$0x4] =	wrdreg s2  }
0xb0: {  	[dreg:$0x5] =	wrdreg $0x9  }
0xb1: {  	_ =	task.clear_ibuf [dreg:s7], $0x6FFFF;
	_ =	strace $0x90000046  }
0xb2: {  	s26 =	simm.s32 $0x9;
	_ =	strace $0x80000048  }
0xb3: {  	_ =	swait.ge [sflag:s26], $0x1  }
0xb4: {  	[sflag:s26] =	ssyncadd.s32 $0xFFFFFFFF  }
0xb5: {  	_ =	strace $0x90000048  }
0xb6: {  	_ =	sfence  }
0xb7: {  	s28 =	sld [smem:$0x0];
	_ =	sdelay $0x1  }
0xb8: {  	s29 =	srdreg.scid  }
0xb9: {  	s30 =	sshll.u32 s29, $0xD;
	s31 =	sshrl.u32 s29, $0x2  }
0xba: {  	s1 =	sand.u32 $0x1, s29;
	s2 =	sand.u32 $0x4000, s30;
	s0 =	sadd.s32 s31, s28  }
0xbb: {  	s1 =	sor.u32 s2, s1;
	s0 =	sshll.u32 s0, $0x11  }
0xbc: {  	s0 =	sor.u32 s0, s1  }
0xbd: {  	s0 =	sadd.s32 $0x8F2B, s0  }
0xbe: {  	[sflag:s0] =	ssyncadd.remote.s32 $0x1  }
0xbf: {  	_ =	sfence.sel $0xFFFF  }
0xc0: {  	[dreg:$0x0] =	wrdreg $0xFFFFFFFF;
	(pc) =	sbr.abs _section_cstart, $3  }
0xc1: {  	[dreg:$0x1] =	wrdreg $0xFFFFFFFF  }
0xc2: {  	_ =	task.clear_ibuf [dreg:s7], $0x2FFFF;
	_ =	strace $0x9FFFFFFF  }
0xc3: {  	(tm) =	ssettm $0x7FFFFFFF  }
tec
execute0_lowered:
.L_overlay_start_1:
0x0: {  	(tag) =	ssettag $0x1  }
0x1: {  	s4 =	rddreg [dreg:$0x0]  }
0x2: {  	s5 =	rddreg [dreg:$0x1]  }
0x3: {  	s2 =	rddreg [dreg:$0x2]  }
0x4: {  	s1 =	stileid.u32;
	s0 =	rddreg [dreg:$0x3];
	s3 =	simm.s32 $0x0  }
0x5: {  	s11 =	simm.s32 $0x80;
	s6 =	sshll.u32 s1, $0x8;
	[smem:$0x7FF] =	sst s3  }
0x6: {  	s8 =	sshll.u32 s1, $0x5;
	s7 =	sor.u32 $0x40, s6;
	_ =	strace $0x80000047  }
0x7: {  	s8 =	sadd.s32 s4, s8;
	s10 =	sor.u32 $0x80, s6;
	s9 =	sshrl.u32 s7, $0x3  }
0x8: {  	[tilespmem:s3], [sflag:$0x1] =	stream.linear.gather [hbm4b:s8+s3], $0x40, $0x38;
	[tilespmem:$0x8200] =	vst v63  }
0x9: {  	s6 =	sor.u32 $0xC0, s6;
	s25 =	sshrl.u32 s10, $0x3;
	s9 =	sadd.s32 s4, s9  }
0xa: {  	[tilespmem:s11], [sflag:$0x2] =	stream.linear.gather [hbm4b:s9+s3], $0x40, $0x38;
	[tilespmem:$0x8200] =	vst v63  }
0xb: {  	s12 =	simm.s32 $0x100;
	s26 =	sshrl.u32 s6, $0x3;
	s8 =	sadd.s32 s4, s25  }
0xc: {  	[tilespmem:s12], [sflag:$0x3] =	stream.linear.gather [hbm4b:s8+s3], $0x40, $0x38;
	[tilespmem:$0x8200] =	vst v63  }
0xd: {  	s28 =	simm.s32 $0x180;
	s29 =	simm.s32 $0x1;
	s4 =	sadd.s32 s4, s26  }
0xe: {  	[tilespmem:s28], [sflag:$0x4] =	stream.linear.gather [hbm4b:s4+s3], $0x40, $0x38;
	[tilespmem:$0x8200] =	vst v63  }
0xf: {  	_ =	swait.ge [sflag:s29], $0x40  }
0x10: {  	s30 =	simm.s32 $0x40;
	[sflag:s29] =	ssyncset.done $0x0  }
0x11: {  	s31 =	simm.s32 $0x200;
	s13 =	simm.s32 $0x2;
	[sflag:s29] =	ssyncadd.s32 $0xFFFFFFC0  }
0x12: {  	[tilespmem:s31], [sflag:$0x5] =	stream.indirect.gather [hbm4b:s5+s30], $0x80, s3, s30, $0xb8;
	[tilespmem:$0x8200] =	vst v63  }
0x13: {  	_ =	swait.ge [sflag:s13], $0x40  }
0x14: {  	[sflag:s13] =	ssyncset.done $0x0  }
0x15: {  	s14 =	simm.s32 $0x2200;
	s15 =	simm.s32 $0x3;
	[sflag:s13] =	ssyncadd.s32 $0xFFFFFFC0  }
0x16: {  	[tilespmem:s14], [sflag:$0x6] =	stream.indirect.gather [hbm4b:s5+s30], $0x80, s11, s30, $0xb8;
	[tilespmem:$0x8200] =	vst v63  }
0x17: {  	_ =	swait.ge [sflag:s15], $0x40  }
0x18: {  	[sflag:s15] =	ssyncset.done $0x0  }
0x19: {  	s16 =	simm.s32 $0x4200;
	s17 =	simm.s32 $0x4;
	[sflag:s15] =	ssyncadd.s32 $0xFFFFFFC0  }
0x1a: {  	[tilespmem:s16], [sflag:$0x7] =	stream.indirect.gather [hbm4b:s5+s30], $0x80, s12, s30, $0xb8;
	[tilespmem:$0x8200] =	vst v63  }
0x1b: {  	_ =	swait.ge [sflag:s17], $0x40  }
0x1c: {  	[sflag:s17] =	ssyncset.done $0x0  }
0x1d: {  	s18 =	simm.s32 $0x6200;
	s19 =	simm.s32 $0x5;
	[sflag:s17] =	ssyncadd.s32 $0xFFFFFFC0  }
0x1e: {  	[tilespmem:s18], [sflag:$0x8] =	stream.indirect.gather [hbm4b:s5+s30], $0x80, s28, s30, $0xb8;
	[tilespmem:$0x8200] =	vst v63  }
0x1f: {  	_ =	swait.ge [sflag:s19], $0x2000  }
0x20: {  	s20 =	sshll.u32 s1, $0xC;
	[sflag:s19] =	ssyncset.done $0x0  }
0x21: {  	s21 =	simm.s32 $0x6;
	s5 =	sadd.s32 s2, s20;
	[sflag:s19] =	ssyncadd.s32 $0xFFFFE000  }
0x22: {  	[hbm4b:s5+s3] =	stream.linear.scatter [tilespmem:s31], [sflag:$0x9], $0x2000, $0x38;
	[tilespmem:$0x8200] =	vst v63  }
0x23: {  	_ =	swait.ge [sflag:s21], $0x2000  }
0x24: {  	s22 =	sshll.u32 s7, $0x4;
	[sflag:s21] =	ssyncset.done $0x0  }
0x25: {  	s23 =	simm.s32 $0x7;
	s5 =	sadd.s32 s2, s22;
	[sflag:s21] =	ssyncadd.s32 $0xFFFFE000  }
0x26: {  	[hbm4b:s5+s3] =	stream.linear.scatter [tilespmem:s14], [sflag:$0xA], $0x2000, $0x38;
	[tilespmem:$0x8200] =	vst v63  }
0x27: {  	_ =	swait.ge [sflag:s23], $0x2000  }
0x28: {  	s24 =	sshll.u32 s10, $0x4;
	[sflag:s23] =	ssyncset.done $0x0  }
0x29: {  	s25 =	simm.s32 $0x8;
	s5 =	sadd.s32 s2, s24;
	[sflag:s23] =	ssyncadd.s32 $0xFFFFE000  }
0x2a: {  	[hbm4b:s5+s3] =	stream.linear.scatter [tilespmem:s16], [sflag:$0xB], $0x2000, $0x38;
	[tilespmem:$0x8200] =	vst v63  }
0x2b: {  	_ =	swait.ge [sflag:s25], $0x2000  }
0x2c: {  	s26 =	sshll.u32 s6, $0x4;
	[sflag:s25] =	ssyncset.done $0x0  }
0x2d: {  	s28 =	simm.s32 $0x9;
	s2 =	sadd.s32 s2, s26;
	[sflag:s25] =	ssyncadd.s32 $0xFFFFE000  }
0x2e: {  	[hbm4b:s2+s3] =	stream.linear.scatter [tilespmem:s18], [sflag:$0xC], $0x2000, $0x38;
	[tilespmem:$0x8200] =	vst v63  }
0x2f: {  	_ =	swait.ge [sflag:s28], $0x2000  }
0x30: {  	[sflag:s28] =	ssyncset.done $0x0  }
0x31: {  	s29 =	simm.s32 $0xA;
	[sflag:s28] =	ssyncadd.s32 $0xFFFFE000  }
0x32: {  	_ =	swait.ge [sflag:s29], $0x2000  }
0x33: {  	[sflag:s29] =	ssyncset.done $0x0  }
0x34: {  	s30 =	simm.s32 $0xB;
	[sflag:s29] =	ssyncadd.s32 $0xFFFFE000  }
0x35: {  	_ =	swait.ge [sflag:s30], $0x2000  }
0x36: {  	[sflag:s30] =	ssyncset.done $0x0  }
0x37: {  	s31 =	simm.s32 $0xC;
	[sflag:s30] =	ssyncadd.s32 $0xFFFFE000  }
0x38: {  	_ =	swait.ge [sflag:s31], $0x2000  }
0x39: {  	[sflag:s31] =	ssyncset.done $0x0  }
0x3a: {  	[sflag:s31] =	ssyncadd.s32 $0xFFFFE000  }
0x3b: {  	_ =	sfence.sel $0x180000  }
0x3c: {  	[bflag:$0x0] =	sbarrier.arrive $0xFFFF  }
0x3d: {  	p0 =	sne.s32 s1, $0x0;
	_ =	strace $0x90000047  }
0x3e: {  	s0 =	sadd.s32 @!p0 $0x100000, s0;
	[bflag:$0x2] =	sbarrier.arrive $0xFFFF  }
0x3f: {  	[sflag:s0] =	ssyncadd.tile.s32 @!p0 $0x1;
	_ =	shalt  }
.Lfunc_end2:
_tile_overlayer_lowered:
.L_overlay_start_2:
0x40: {  	(tag) =	ssettag $0x2  }
0x41: {  	s0 =	rddreg [dreg:$0x0];
	s2 =	stileid.u32  }
0x42: {  	s1 =	rddreg [dreg:$0x1];
	p0 =	sne.s32 s2, $0x0  }
0x43: {  	s3 =	rddreg [dreg:$0x2];
	[bflag:$0x3] =	sbarrier.arrive $0xFFFF;
	s2 =	simm.s32 @!p0 $0x1C0D  }
0x44: {  	[timem:s3], [sflag:s2] =	dma.local @!p0 [hbm:s0], s1  }
0x45: {  	s0 =	simm.s32 @!p0 $0xD  }
0x46: {  	_ =	swait.ge @!p0 [sflag:s0], s1  }
0x47: {  	s1 =	ssub.s32 @!p0 $0x0, s1;
	[sflag:s0] =	ssyncset.done @!p0 $0x0  }
0x48: {  	[sflag:s0] =	ssyncadd.s32 @!p0 s1  }
0x49: {  	[bflag:$0x3] =	sbarrier.arrive $0xFFFF  }
0x4a: {  	_ =	shalt  }

</sc_bundles>
